<compile_context>
chip_gen: v7x
topology: tpu7x:2x2x1
jax: 0.10.2.dev20260603
libtpu: 0.0.44.dev20260713+nightly
codegen_flags: <defaults>
</compile_context>

<pallas_src>
import functools
import jax
import jax.numpy as jnp
from jax import lax
from jax.experimental import pallas as pl
from jax.experimental.pallas import tpu as pltpu
from jax.experimental.pallas import tpu_sc as plsc

X_SIZE = 128
H = 128
B = 16
N = 69905
NUM_INTERNAL = 4369
HPAD = 4376
NW = 32
FILL_BASE = 4368
ROWS_W = 2048
ZROWS = 256
NDMA = 8


def _sc_fill_body(out_hbm, zbuf, sem):
    c = lax.axis_index("c")
    s = lax.axis_index("s")
    wid = s * 2 + c
    zv = jnp.zeros((16,), jnp.float32)

    def zero_row(i, _):
        for j in range(H // 16):
            zbuf[i, pl.ds(j * 16, 16)] = zv
        return _

    lax.fori_loop(0, ZROWS, zero_row, 0)

    base = FILL_BASE + wid * ROWS_W
    copies = []
    for k in range(NDMA):
        cp = pltpu.make_async_copy(
            zbuf, out_hbm.at[pl.ds(base + k * ZROWS, ZROWS), :], sem)
        cp.start()
        copies.append(cp)
    for cp in copies:
        cp.wait()


def _tree_gru_body(x3, x2, x1, x0, wt, wb, urt, uht, uzt, ho):
    bias = wb[:]
    wtv = wt[:]

    wx3 = jnp.dot(x3[:], wtv[:, H:],
                  preferred_element_type=jnp.float32) + bias[:, H:]
    h3 = (1.0 - float(B) * jax.nn.sigmoid(wx3[:, H:])) * jnp.tanh(
        wx3[:, :H])

    def level(xl, hc, n):
        wx = jnp.dot(xl, wtv, preferred_element_type=jnp.float32) + bias
        zpre = jnp.dot(hc, uzt[:], preferred_element_type=jnp.float32)
        mail = hc.reshape(n, B, H)
        zp = zpre.reshape(n, B, H)
        h_sum = jnp.sum(mail, axis=1)
        h_red = jnp.sum(zp * mail, axis=1)
        wzx = wx[:, 2 * H:]
        z_sum = jnp.sum(jax.nn.sigmoid(zp + wzx[:, None, :]), axis=1)
        r = jax.nn.sigmoid(
            wx[:, :H] + jnp.dot(h_sum, urt[:],
                                preferred_element_type=jnp.float32))
        cand = jnp.tanh(
            wx[:, H:2 * H] + jnp.dot(r * h_sum, uht[:],
                                     preferred_element_type=jnp.float32))
        return h_red + (1.0 - z_sum) * cand

    h2 = level(x2[:], h3, 256)
    h1 = level(x1[:], h2, 16)
    h0 = level(x0[:], h1, 1)
    ho[:] = jnp.concatenate(
        [h0, h1, h2, h3,
         jnp.zeros((HPAD - NUM_INTERNAL, H), jnp.float32)], axis=0)


def kernel(x, edge_index, W_w, W_b, U_r_w, U_hc_w, U_z_w):
    del edge_index
    x0 = x[0:1]
    x1 = x[1:17]
    x2 = x[17:273]
    x3 = x[273:NUM_INTERNAL]
    wt = W_w.T
    wb = W_b.reshape(1, 3 * H)
    urt = U_r_w.T
    uht = U_hc_w.T
    uzt = U_z_w.T

    mesh = plsc.VectorSubcoreMesh(core_axis_name="c", subcore_axis_name="s")
    fill = functools.partial(
        pl.kernel,
        mesh=mesh,
        out_type=jax.ShapeDtypeStruct((N, H), jnp.float32),
        scratch_types=[
            pltpu.VMEM((ZROWS, H), jnp.float32),
            pltpu.SemaphoreType.DMA,
        ],
    )(_sc_fill_body)
    z = fill()

    h_int = pl.pallas_call(
        _tree_gru_body,
        out_shape=jax.ShapeDtypeStruct((HPAD, H), x.dtype),
    )(x3, x2, x1, x0, wt, wb, urt, uht, uzt)

    out = jax.lax.dynamic_update_slice(z, h_int, (0, 0))
    out = jax.lax.dynamic_update_slice(
        out, jnp.zeros((1, H), jnp.float32), (N - 1, 0))
    return out

# --- scband reference (transcript-rebuilt; emitter-appended) ---
"""Pipeline reference for scband-child-sum-tree-gru-48060684042830 (READ-ONLY COPY).

The authoritative reference and input builder live on the scoring server;
editing this copy changes nothing except your own understanding.
"""

import jax, jax.numpy as jnp
import numpy as np

X_SIZE = 128
H = 128
B = 16  # branching factor (children per internal node)
N = 69905  # 1 + 16 + 256 + 4096 + 65536 (complete 16-ary tree, depth 4)
NUM_INTERNAL = 4369  # 1 + 16 + 256 + 4096
# internal-node index ranges per depth, processed leaves-first (topological order)
LEVELS = [(273, 4369), (17, 273), (1, 17), (0, 1)]


def setup_inputs(seed: int = 0) -> dict:
    key = jax.random.key(seed)
    ks = jax.random.split(key, 7)
    x = jax.random.normal(ks[0], (N, X_SIZE), dtype=jnp.float32)
    # edges point child -> parent; node j's parent is (j-1)//16; BFS numbering
    src = jnp.arange(1, N)
    dst = (src - 1) // B
    edge_index = jnp.stack([src, dst]).astype(jnp.int32)
    def lin(k, fan_out, fan_in):
        bound = 1.0 / np.sqrt(fan_in)
        return jax.random.uniform(k, (fan_out, fan_in), jnp.float32, -bound, bound)
    W_w = lin(ks[1], 3 * H, X_SIZE)
    W_b = jax.random.uniform(ks[2], (3 * H,), jnp.float32, -1.0 / np.sqrt(X_SIZE), 1.0 / np.sqrt(X_SIZE))
    U_r_w = lin(ks[3], H, H)
    U_hc_w = lin(ks[4], H, H)
    U_z_w = lin(ks[5], H, H)
    return {"x": x, "edge_index": edge_index, "W_w": W_w, "W_b": W_b,
            "U_r_w": U_r_w, "U_hc_w": U_hc_w, "U_z_w": U_z_w}


def reference(x, edge_index, W_w, W_b, U_r_w, U_hc_w, U_z_w):
    # ndata init: wx = W(x), h = 0, z = 0 (leaves are never pulled, stay at h=0)
    wx = x @ W_w.T + W_b
    h = jnp.zeros((N, H), dtype=x.dtype)
    # edge e has src=e+1, dst=e//16 -> children of internal node j are edge_index[0, 16j:16j+16]
    child_src = edge_index[0].reshape(NUM_INTERNAL, B)
    for s, e in LEVELS:
        idx = jnp.arange(s, e)
        mail = h[child_src[idx]]            # mailbox['h']: [n, 16, H]
        wx_l = wx[idx]                      # [n, 3H]
        # --- reduce ---
        h_sum = jnp.sum(mail, axis=1)
        w_r_x = wx_l[:, :H]
        r = jax.nn.sigmoid(w_r_x + h_sum @ U_r_w.T)
        h_cand_lin = (r * h_sum) @ U_hc_w.T
        wx_l = wx_l.at[:, H:2 * H].add(h_cand_lin)  # in-place wx mutation in reduce
        z_pre = mail @ U_z_w.T              # U_z applied per child, pre-sigmoid
        h_red = jnp.sum(z_pre * mail, axis=1)
        # --- apply (update) ---
        w_h_cand_x = wx_l[:, H:2 * H]
        w_z_x = wx_l[:, 2 * H:]
        z = jax.nn.sigmoid(z_pre + w_z_x[:, None, :])
        z_sum = jnp.sum(z, axis=1)
        h_new = h_red + (1.0 - z_sum) * jnp.tanh(w_h_cand_x)
        wx = wx.at[idx].set(wx_l)
        h = h.at[idx].set(h_new)
    return h

if __name__ == "__main__":
    import jax
    _d = setup_inputs()
    print(jax.jit(kernel)(*tuple(_d.values())))

</pallas_src>

<mosaic_0001>
#map = affine_map<(d0, d1) -> (0, 0)>
module attributes {stable_mosaic.version = 14 : i64} {
  func.func @_sc_fill_body(%arg0: i32, %arg1: i32, %arg2: memref<69905x128xf32, #tpu.memory_space<hbm>>, %arg3: memref<256x128xf32, #tpu.memory_space<vmem>>, %arg4: memref<!tpu.dma_semaphore, #tpu.memory_space<semaphore_mem>>) attributes {dimension_semantics = [#tpu.dimension_semantics<core_parallel>, #tpu.dimension_semantics<subcore_parallel>], iteration_bounds = array<i64: 2, 16>, scalar_prefetch = 0 : i64, scratch_operands = 2 : i64, tpu.core_type = #tpu.core_type<sc_vector_subcore>, window_params = [{transform_indices = #map}]} {
    %mul3A = arith.constant 2 : i32
    %mul3A_0 = arith.muli %arg1, %mul3A : i32
    %add3A = arith.addi %mul3A_0, %arg0 : i32
    %broadcast_in_dim3A = arith.constant 0.000000e+00 : f32
    %broadcast_in_dim3A_1 = vector.broadcast %broadcast_in_dim3A : f32 to vector<16xf32>
    %scan3A = arith.constant 0 : i32
    %scan3A_2 = arith.constant 0 : i32
    %scan3A_3 = arith.constant 256 : i32
    %scan3A_4 = arith.addi %scan3A_2, %scan3A_3 : i32
    %scan3A_5 = arith.constant 1 : i32
    scf.for %scan3A_89 = %scan3A_2 to %scan3A_4 step %scan3A_5  : i32 {
      %swap3A = arith.index_cast %scan3A_89 : i32 to index
      %swap3A_90 = arith.constant 0 : index
      %swap3A_91 = tpu.vector_load %arg3[%swap3A, %swap3A_90] {strides = array<i32>} : memref<256x128xf32, #tpu.memory_space<vmem>>, vector<1x16xf32>,
      %swap3A_92 = vector.shape_cast %swap3A_91 : vector<1x16xf32> to vector<16xf32>
      %swap3A_93 = vector.shape_cast %broadcast_in_dim3A_1 : vector<16xf32> to vector<1x16xf32>
      tpu.vector_store %arg3[%swap3A, %swap3A_90], %swap3A_93 {strides = array<i32>} : memref<256x128xf32, #tpu.memory_space<vmem>>, vector<1x16xf32>,
      %swap3A_94 = arith.index_cast %scan3A_89 : i32 to index
      %swap3A_95 = arith.constant 16 : index
      %swap3A_96 = tpu.vector_load %arg3[%swap3A_94, %swap3A_95] {strides = array<i32>} : memref<256x128xf32, #tpu.memory_space<vmem>>, vector<1x16xf32>,
      %swap3A_97 = vector.shape_cast %swap3A_96 : vector<1x16xf32> to vector<16xf32>
      %swap3A_98 = vector.shape_cast %broadcast_in_dim3A_1 : vector<16xf32> to vector<1x16xf32>
      tpu.vector_store %arg3[%swap3A_94, %swap3A_95], %swap3A_98 {strides = array<i32>} : memref<256x128xf32, #tpu.memory_space<vmem>>, vector<1x16xf32>,
      %swap3A_99 = arith.index_cast %scan3A_89 : i32 to index
      %swap3A_100 = arith.constant 32 : index
      %swap3A_101 = tpu.vector_load %arg3[%swap3A_99, %swap3A_100] {strides = array<i32>} : memref<256x128xf32, #tpu.memory_space<vmem>>, vector<1x16xf32>,
      %swap3A_102 = vector.shape_cast %swap3A_101 : vector<1x16xf32> to vector<16xf32>
      %swap3A_103 = vector.shape_cast %broadcast_in_dim3A_1 : vector<16xf32> to vector<1x16xf32>
      tpu.vector_store %arg3[%swap3A_99, %swap3A_100], %swap3A_103 {strides = array<i32>} : memref<256x128xf32, #tpu.memory_space<vmem>>, vector<1x16xf32>,
      %swap3A_104 = arith.index_cast %scan3A_89 : i32 to index
      %swap3A_105 = arith.constant 48 : index
      %swap3A_106 = tpu.vector_load %arg3[%swap3A_104, %swap3A_105] {strides = array<i32>} : memref<256x128xf32, #tpu.memory_space<vmem>>, vector<1x16xf32>,
      %swap3A_107 = vector.shape_cast %swap3A_106 : vector<1x16xf32> to vector<16xf32>
      %swap3A_108 = vector.shape_cast %broadcast_in_dim3A_1 : vector<16xf32> to vector<1x16xf32>
      tpu.vector_store %arg3[%swap3A_104, %swap3A_105], %swap3A_108 {strides = array<i32>} : memref<256x128xf32, #tpu.memory_space<vmem>>, vector<1x16xf32>,
      %swap3A_109 = arith.index_cast %scan3A_89 : i32 to index
      %swap3A_110 = arith.constant 64 : index
      %swap3A_111 = tpu.vector_load %arg3[%swap3A_109, %swap3A_110] {strides = array<i32>} : memref<256x128xf32, #tpu.memory_space<vmem>>, vector<1x16xf32>,
      %swap3A_112 = vector.shape_cast %swap3A_111 : vector<1x16xf32> to vector<16xf32>
      %swap3A_113 = vector.shape_cast %broadcast_in_dim3A_1 : vector<16xf32> to vector<1x16xf32>
      tpu.vector_store %arg3[%swap3A_109, %swap3A_110], %swap3A_113 {strides = array<i32>} : memref<256x128xf32, #tpu.memory_space<vmem>>, vector<1x16xf32>,
      %swap3A_114 = arith.index_cast %scan3A_89 : i32 to index
      %swap3A_115 = arith.constant 80 : index
      %swap3A_116 = tpu.vector_load %arg3[%swap3A_114, %swap3A_115] {strides = array<i32>} : memref<256x128xf32, #tpu.memory_space<vmem>>, vector<1x16xf32>,
      %swap3A_117 = vector.shape_cast %swap3A_116 : vector<1x16xf32> to vector<16xf32>
      %swap3A_118 = vector.shape_cast %broadcast_in_dim3A_1 : vector<16xf32> to vector<1x16xf32>
      tpu.vector_store %arg3[%swap3A_114, %swap3A_115], %swap3A_118 {strides = array<i32>} : memref<256x128xf32, #tpu.memory_space<vmem>>, vector<1x16xf32>,
      %swap3A_119 = arith.index_cast %scan3A_89 : i32 to index
      %swap3A_120 = arith.constant 96 : index
      %swap3A_121 = tpu.vector_load %arg3[%swap3A_119, %swap3A_120] {strides = array<i32>} : memref<256x128xf32, #tpu.memory_space<vmem>>, vector<1x16xf32>,
      %swap3A_122 = vector.shape_cast %swap3A_121 : vector<1x16xf32> to vector<16xf32>
      %swap3A_123 = vector.shape_cast %broadcast_in_dim3A_1 : vector<16xf32> to vector<1x16xf32>
      tpu.vector_store %arg3[%swap3A_119, %swap3A_120], %swap3A_123 {strides = array<i32>} : memref<256x128xf32, #tpu.memory_space<vmem>>, vector<1x16xf32>,
      %swap3A_124 = arith.index_cast %scan3A_89 : i32 to index
      %swap3A_125 = arith.constant 112 : index
      %swap3A_126 = tpu.vector_load %arg3[%swap3A_124, %swap3A_125] {strides = array<i32>} : memref<256x128xf32, #tpu.memory_space<vmem>>, vector<1x16xf32>,
      %swap3A_127 = vector.shape_cast %swap3A_126 : vector<1x16xf32> to vector<16xf32>
      %swap3A_128 = vector.shape_cast %broadcast_in_dim3A_1 : vector<16xf32> to vector<1x16xf32>
      tpu.vector_store %arg3[%swap3A_124, %swap3A_125], %swap3A_128 {strides = array<i32>} : memref<256x128xf32, #tpu.memory_space<vmem>>, vector<1x16xf32>,
    }
    %scan3A_6 = arith.constant 256 : i32
    %mul3A_7 = arith.constant 2048 : i32
    %mul3A_8 = arith.muli %add3A, %mul3A_7 : i32
    %add3A_9 = arith.constant 4368 : i32
    %add3A_10 = arith.addi %add3A_9, %mul3A_8 : i32
    %add3A_11 = arith.constant 0 : i32
    %add3A_12 = arith.addi %add3A_10, %add3A_11 : i32
    %dma_start3A = arith.constant 0 : i32
    %dma_start3A_13 = tpu.memref_slice %arg2[%add3A_12, %dma_start3A] : memref<69905x128xf32, #tpu.memory_space<hbm>> -> memref<256x128xf32, #tpu.memory_space<hbm>>
    %dma_start3A_14 = arith.constant 0 : i32
    %dma_start3A_15 = tpu.memref_slice %arg2[%add3A_12, %dma_start3A_14] : memref<69905x128xf32, #tpu.memory_space<hbm>> -> memref<256x128xf32, #tpu.memory_space<hbm>>
    tpu.enqueue_dma source(%arg3 : memref<256x128xf32, #tpu.memory_space<vmem>>) target(%dma_start3A_15 : memref<256x128xf32, #tpu.memory_space<hbm>>) target_semaphore(%arg4 : memref<!tpu.dma_semaphore, #tpu.memory_space<semaphore_mem>>)
    %add3A_16 = arith.constant 256 : i32
    %add3A_17 = arith.addi %add3A_10, %add3A_16 : i32
    %dma_start3A_18 = arith.constant 0 : i32
    %dma_start3A_19 = tpu.memref_slice %arg2[%add3A_17, %dma_start3A_18] : memref<69905x128xf32, #tpu.memory_space<hbm>> -> memref<256x128xf32, #tpu.memory_space<hbm>>
    %dma_start3A_20 = arith.constant 0 : i32
    %dma_start3A_21 = tpu.memref_slice %arg2[%add3A_17, %dma_start3A_20] : memref<69905x128xf32, #tpu.memory_space<hbm>> -> memref<256x128xf32, #tpu.memory_space<hbm>>
    tpu.enqueue_dma source(%arg3 : memref<256x128xf32, #tpu.memory_space<vmem>>) target(%dma_start3A_21 : memref<256x128xf32, #tpu.memory_space<hbm>>) target_semaphore(%arg4 : memref<!tpu.dma_semaphore, #tpu.memory_space<semaphore_mem>>)
    %add3A_22 = arith.constant 512 : i32
    %add3A_23 = arith.addi %add3A_10, %add3A_22 : i32
    %dma_start3A_24 = arith.constant 0 : i32
    %dma_start3A_25 = tpu.memref_slice %arg2[%add3A_23, %dma_start3A_24] : memref<69905x128xf32, #tpu.memory_space<hbm>> -> memref<256x128xf32, #tpu.memory_space<hbm>>
    %dma_start3A_26 = arith.constant 0 : i32
    %dma_start3A_27 = tpu.memref_slice %arg2[%add3A_23, %dma_start3A_26] : memref<69905x128xf32, #tpu.memory_space<hbm>> -> memref<256x128xf32, #tpu.memory_space<hbm>>
    tpu.enqueue_dma source(%arg3 : memref<256x128xf32, #tpu.memory_space<vmem>>) target(%dma_start3A_27 : memref<256x128xf32, #tpu.memory_space<hbm>>) target_semaphore(%arg4 : memref<!tpu.dma_semaphore, #tpu.memory_space<semaphore_mem>>)
    %add3A_28 = arith.constant 768 : i32
    %add3A_29 = arith.addi %add3A_10, %add3A_28 : i32
    %dma_start3A_30 = arith.constant 0 : i32
    %dma_start3A_31 = tpu.memref_slice %arg2[%add3A_29, %dma_start3A_30] : memref<69905x128xf32, #tpu.memory_space<hbm>> -> memref<256x128xf32, #tpu.memory_space<hbm>>
    %dma_start3A_32 = arith.constant 0 : i32
    %dma_start3A_33 = tpu.memref_slice %arg2[%add3A_29, %dma_start3A_32] : memref<69905x128xf32, #tpu.memory_space<hbm>> -> memref<256x128xf32, #tpu.memory_space<hbm>>
    tpu.enqueue_dma source(%arg3 : memref<256x128xf32, #tpu.memory_space<vmem>>) target(%dma_start3A_33 : memref<256x128xf32, #tpu.memory_space<hbm>>) target_semaphore(%arg4 : memref<!tpu.dma_semaphore, #tpu.memory_space<semaphore_mem>>)
    %add3A_34 = arith.constant 1024 : i32
    %add3A_35 = arith.addi %add3A_10, %add3A_34 : i32
    %dma_start3A_36 = arith.constant 0 : i32
    %dma_start3A_37 = tpu.memref_slice %arg2[%add3A_35, %dma_start3A_36] : memref<69905x128xf32, #tpu.memory_space<hbm>> -> memref<256x128xf32, #tpu.memory_space<hbm>>
    %dma_start3A_38 = arith.constant 0 : i32
    %dma_start3A_39 = tpu.memref_slice %arg2[%add3A_35, %dma_start3A_38] : memref<69905x128xf32, #tpu.memory_space<hbm>> -> memref<256x128xf32, #tpu.memory_space<hbm>>
    tpu.enqueue_dma source(%arg3 : memref<256x128xf32, #tpu.memory_space<vmem>>) target(%dma_start3A_39 : memref<256x128xf32, #tpu.memory_space<hbm>>) target_semaphore(%arg4 : memref<!tpu.dma_semaphore, #tpu.memory_space<semaphore_mem>>)
    %add3A_40 = arith.constant 1280 : i32
    %add3A_41 = arith.addi %add3A_10, %add3A_40 : i32
    %dma_start3A_42 = arith.constant 0 : i32
    %dma_start3A_43 = tpu.memref_slice %arg2[%add3A_41, %dma_start3A_42] : memref<69905x128xf32, #tpu.memory_space<hbm>> -> memref<256x128xf32, #tpu.memory_space<hbm>>
    %dma_start3A_44 = arith.constant 0 : i32
    %dma_start3A_45 = tpu.memref_slice %arg2[%add3A_41, %dma_start3A_44] : memref<69905x128xf32, #tpu.memory_space<hbm>> -> memref<256x128xf32, #tpu.memory_space<hbm>>
    tpu.enqueue_dma source(%arg3 : memref<256x128xf32, #tpu.memory_space<vmem>>) target(%dma_start3A_45 : memref<256x128xf32, #tpu.memory_space<hbm>>) target_semaphore(%arg4 : memref<!tpu.dma_semaphore, #tpu.memory_space<semaphore_mem>>)
    %add3A_46 = arith.constant 1536 : i32
    %add3A_47 = arith.addi %add3A_10, %add3A_46 : i32
    %dma_start3A_48 = arith.constant 0 : i32
    %dma_start3A_49 = tpu.memref_slice %arg2[%add3A_47, %dma_start3A_48] : memref<69905x128xf32, #tpu.memory_space<hbm>> -> memref<256x128xf32, #tpu.memory_space<hbm>>
    %dma_start3A_50 = arith.constant 0 : i32
    %dma_start3A_51 = tpu.memref_slice %arg2[%add3A_47, %dma_start3A_50] : memref<69905x128xf32, #tpu.memory_space<hbm>> -> memref<256x128xf32, #tpu.memory_space<hbm>>
    tpu.enqueue_dma source(%arg3 : memref<256x128xf32, #tpu.memory_space<vmem>>) target(%dma_start3A_51 : memref<256x128xf32, #tpu.memory_space<hbm>>) target_semaphore(%arg4 : memref<!tpu.dma_semaphore, #tpu.memory_space<semaphore_mem>>)
    %add3A_52 = arith.constant 1792 : i32
    %add3A_53 = arith.addi %add3A_10, %add3A_52 : i32
    %dma_start3A_54 = arith.constant 0 : i32
    %dma_start3A_55 = tpu.memref_slice %arg2[%add3A_53, %dma_start3A_54] : memref<69905x128xf32, #tpu.memory_space<hbm>> -> memref<256x128xf32, #tpu.memory_space<hbm>>
    %dma_start3A_56 = arith.constant 0 : i32
    %dma_start3A_57 = tpu.memref_slice %arg2[%add3A_53, %dma_start3A_56] : memref<69905x128xf32, #tpu.memory_space<hbm>> -> memref<256x128xf32, #tpu.memory_space<hbm>>
    tpu.enqueue_dma source(%arg3 : memref<256x128xf32, #tpu.memory_space<vmem>>) target(%dma_start3A_57 : memref<256x128xf32, #tpu.memory_space<hbm>>) target_semaphore(%arg4 : memref<!tpu.dma_semaphore, #tpu.memory_space<semaphore_mem>>)
    %dma_wait3A = arith.constant 0 : i32
    %dma_wait3A_58 = tpu.memref_slice %arg2[%add3A_12, %dma_wait3A] : memref<69905x128xf32, #tpu.memory_space<hbm>> -> memref<256x128xf32, #tpu.memory_space<hbm>>
    %dma_wait3A_59 = arith.constant 0 : i32
    %dma_wait3A_60 = tpu.memref_slice %arg2[%add3A_12, %dma_wait3A_59] : memref<69905x128xf32, #tpu.memory_space<hbm>> -> memref<256x128xf32, #tpu.memory_space<hbm>>
    tpu.wait_dma2 semaphore(%arg4 : memref<!tpu.dma_semaphore, #tpu.memory_space<semaphore_mem>>) src(%arg3 : memref<256x128xf32, #tpu.memory_space<vmem>>) dst(%dma_wait3A_60 : memref<256x128xf32, #tpu.memory_space<hbm>>)
    %dma_wait3A_61 = arith.constant 0 : i32
    %dma_wait3A_62 = tpu.memref_slice %arg2[%add3A_17, %dma_wait3A_61] : memref<69905x128xf32, #tpu.memory_space<hbm>> -> memref<256x128xf32, #tpu.memory_space<hbm>>
    %dma_wait3A_63 = arith.constant 0 : i32
    %dma_wait3A_64 = tpu.memref_slice %arg2[%add3A_17, %dma_wait3A_63] : memref<69905x128xf32, #tpu.memory_space<hbm>> -> memref<256x128xf32, #tpu.memory_space<hbm>>
    tpu.wait_dma2 semaphore(%arg4 : memref<!tpu.dma_semaphore, #tpu.memory_space<semaphore_mem>>) src(%arg3 : memref<256x128xf32, #tpu.memory_space<vmem>>) dst(%dma_wait3A_64 : memref<256x128xf32, #tpu.memory_space<hbm>>)
    %dma_wait3A_65 = arith.constant 0 : i32
    %dma_wait3A_66 = tpu.memref_slice %arg2[%add3A_23, %dma_wait3A_65] : memref<69905x128xf32, #tpu.memory_space<hbm>> -> memref<256x128xf32, #tpu.memory_space<hbm>>
    %dma_wait3A_67 = arith.constant 0 : i32
    %dma_wait3A_68 = tpu.memref_slice %arg2[%add3A_23, %dma_wait3A_67] : memref<69905x128xf32, #tpu.memory_space<hbm>> -> memref<256x128xf32, #tpu.memory_space<hbm>>
    tpu.wait_dma2 semaphore(%arg4 : memref<!tpu.dma_semaphore, #tpu.memory_space<semaphore_mem>>) src(%arg3 : memref<256x128xf32, #tpu.memory_space<vmem>>) dst(%dma_wait3A_68 : memref<256x128xf32, #tpu.memory_space<hbm>>)
    %dma_wait3A_69 = arith.constant 0 : i32
    %dma_wait3A_70 = tpu.memref_slice %arg2[%add3A_29, %dma_wait3A_69] : memref<69905x128xf32, #tpu.memory_space<hbm>> -> memref<256x128xf32, #tpu.memory_space<hbm>>
    %dma_wait3A_71 = arith.constant 0 : i32
    %dma_wait3A_72 = tpu.memref_slice %arg2[%add3A_29, %dma_wait3A_71] : memref<69905x128xf32, #tpu.memory_space<hbm>> -> memref<256x128xf32, #tpu.memory_space<hbm>>
    tpu.wait_dma2 semaphore(%arg4 : memref<!tpu.dma_semaphore, #tpu.memory_space<semaphore_mem>>) src(%arg3 : memref<256x128xf32, #tpu.memory_space<vmem>>) dst(%dma_wait3A_72 : memref<256x128xf32, #tpu.memory_space<hbm>>)
    %dma_wait3A_73 = arith.constant 0 : i32
    %dma_wait3A_74 = tpu.memref_slice %arg2[%add3A_35, %dma_wait3A_73] : memref<69905x128xf32, #tpu.memory_space<hbm>> -> memref<256x128xf32, #tpu.memory_space<hbm>>
    %dma_wait3A_75 = arith.constant 0 : i32
    %dma_wait3A_76 = tpu.memref_slice %arg2[%add3A_35, %dma_wait3A_75] : memref<69905x128xf32, #tpu.memory_space<hbm>> -> memref<256x128xf32, #tpu.memory_space<hbm>>
    tpu.wait_dma2 semaphore(%arg4 : memref<!tpu.dma_semaphore, #tpu.memory_space<semaphore_mem>>) src(%arg3 : memref<256x128xf32, #tpu.memory_space<vmem>>) dst(%dma_wait3A_76 : memref<256x128xf32, #tpu.memory_space<hbm>>)
    %dma_wait3A_77 = arith.constant 0 : i32
    %dma_wait3A_78 = tpu.memref_slice %arg2[%add3A_41, %dma_wait3A_77] : memref<69905x128xf32, #tpu.memory_space<hbm>> -> memref<256x128xf32, #tpu.memory_space<hbm>>
    %dma_wait3A_79 = arith.constant 0 : i32
    %dma_wait3A_80 = tpu.memref_slice %arg2[%add3A_41, %dma_wait3A_79] : memref<69905x128xf32, #tpu.memory_space<hbm>> -> memref<256x128xf32, #tpu.memory_space<hbm>>
    tpu.wait_dma2 semaphore(%arg4 : memref<!tpu.dma_semaphore, #tpu.memory_space<semaphore_mem>>) src(%arg3 : memref<256x128xf32, #tpu.memory_space<vmem>>) dst(%dma_wait3A_80 : memref<256x128xf32, #tpu.memory_space<hbm>>)
    %dma_wait3A_81 = arith.constant 0 : i32
    %dma_wait3A_82 = tpu.memref_slice %arg2[%add3A_47, %dma_wait3A_81] : memref<69905x128xf32, #tpu.memory_space<hbm>> -> memref<256x128xf32, #tpu.memory_space<hbm>>
    %dma_wait3A_83 = arith.constant 0 : i32
    %dma_wait3A_84 = tpu.memref_slice %arg2[%add3A_47, %dma_wait3A_83] : memref<69905x128xf32, #tpu.memory_space<hbm>> -> memref<256x128xf32, #tpu.memory_space<hbm>>
    tpu.wait_dma2 semaphore(%arg4 : memref<!tpu.dma_semaphore, #tpu.memory_space<semaphore_mem>>) src(%arg3 : memref<256x128xf32, #tpu.memory_space<vmem>>) dst(%dma_wait3A_84 : memref<256x128xf32, #tpu.memory_space<hbm>>)
    %dma_wait3A_85 = arith.constant 0 : i32
    %dma_wait3A_86 = tpu.memref_slice %arg2[%add3A_53, %dma_wait3A_85] : memref<69905x128xf32, #tpu.memory_space<hbm>> -> memref<256x128xf32, #tpu.memory_space<hbm>>
    %dma_wait3A_87 = arith.constant 0 : i32
    %dma_wait3A_88 = tpu.memref_slice %arg2[%add3A_53, %dma_wait3A_87] : memref<69905x128xf32, #tpu.memory_space<hbm>> -> memref<256x128xf32, #tpu.memory_space<hbm>>
    tpu.wait_dma2 semaphore(%arg4 : memref<!tpu.dma_semaphore, #tpu.memory_space<semaphore_mem>>) src(%arg3 : memref<256x128xf32, #tpu.memory_space<vmem>>) dst(%dma_wait3A_88 : memref<256x128xf32, #tpu.memory_space<hbm>>)
    return
  }
}

module attributes {stable_mosaic.version = 14 : i64} {
  func.func @_tree_gru_body(%arg0: memref<4096x128xf32, #tpu.memory_space<vmem>>, %arg1: memref<256x128xf32, #tpu.memory_space<vmem>>, %arg2: memref<16x128xf32, #tpu.memory_space<vmem>>, %arg3: memref<1x128xf32, #tpu.memory_space<vmem>>, %arg4: memref<128x384xf32, #tpu.memory_space<vmem>>, %arg5: memref<1x384xf32, #tpu.memory_space<vmem>>, %arg6: memref<128x128xf32, #tpu.memory_space<vmem>>, %arg7: memref<128x128xf32, #tpu.memory_space<vmem>>, %arg8: memref<128x128xf32, #tpu.memory_space<vmem>>, %arg9: memref<4376x128xf32, #tpu.memory_space<vmem>>) attributes {dimension_semantics = [], scalar_prefetch = 0 : i64, scratch_operands = 0 : i64, tpu.core_type = #tpu.core_type<tc>} {
    %get3A = arith.constant 0 : index
    %get3A_0 = arith.constant 0 : index
    %get3A_1 = vector.load %arg5[%get3A, %get3A_0] : memref<1x384xf32, #tpu.memory_space<vmem>>, vector<1x384xf32>
    %get3A_2 = arith.constant 0 : index
    %get3A_3 = arith.constant 0 : index
    %get3A_4 = vector.load %arg4[%get3A_2, %get3A_3] : memref<128x384xf32, #tpu.memory_space<vmem>>, vector<128x384xf32>
    %get3A_5 = arith.constant 0 : index
    %get3A_6 = arith.constant 0 : index
    %get3A_7 = vector.load %arg0[%get3A_5, %get3A_6] : memref<4096x128xf32, #tpu.memory_space<vmem>>, vector<4096x128xf32>
    %slice3A = vector.extract_strided_slice %get3A_4 {offsets = [0, 128], sizes = [128, 256], strides = [1, 1]} : vector<128x384xf32> to vector<128x256xf32>
    %dot_general3A = arith.constant dense<0.000000e+00> : vector<4096x256xf32>
    %dot_general3A_8 = tpu.matmul %get3A_7, %slice3A, %dot_general3A {dimension_numbers = #tpu.dot_dimension_numbers<[1], [0], [0], [1], [0, 0, 1, 1], [], []>, transpose_lhs_hint = false} : vector<4096x128xf32>, vector<128x256xf32>, vector<4096x256xf32> -> vector<4096x256xf32>
    %slice3A_9 = vector.extract_strided_slice %get3A_1 {offsets = [0, 128], sizes = [1, 256], strides = [1, 1]} : vector<1x384xf32> to vector<1x256xf32>
    %add3A = vector.broadcast %slice3A_9 : vector<1x256xf32> to vector<4096x256xf32>
    %add3A_10 = arith.addf %dot_general3A_8, %add3A : vector<4096x256xf32>
    %slice3A_11 = vector.extract_strided_slice %add3A_10 {offsets = [0, 128], sizes = [4096, 128], strides = [1, 1]} : vector<4096x256xf32> to vector<4096x128xf32>
    %logistic3A = arith.negf %slice3A_11 : vector<4096x128xf32>
    %logistic3A_12 = math.exp %logistic3A : vector<4096x128xf32>
    %logistic3A_13 = arith.constant 1.000000e+00 : f32
    %logistic3A_14 = vector.broadcast %logistic3A_13 : f32 to vector<4096x128xf32>
    %logistic3A_15 = arith.addf %logistic3A_14, %logistic3A_12 : vector<4096x128xf32>
    %logistic3A_16 = arith.divf %logistic3A_14, %logistic3A_15 : vector<4096x128xf32>
    %mul3A = arith.constant 1.600000e+01 : f32
    %mul3A_17 = vector.broadcast %mul3A : f32 to vector<4096x128xf32>
    %mul3A_18 = arith.mulf %mul3A_17, %logistic3A_16 : vector<4096x128xf32>
    %sub3A = arith.constant 1.000000e+00 : f32
    %sub3A_19 = vector.broadcast %sub3A : f32 to vector<4096x128xf32>
    %sub3A_20 = arith.subf %sub3A_19, %mul3A_18 : vector<4096x128xf32>
    %slice3A_21 = vector.extract_strided_slice %add3A_10 {offsets = [0, 0], sizes = [4096, 128], strides = [1, 1]} : vector<4096x256xf32> to vector<4096x128xf32>
    %tanh3A = math.tanh %slice3A_21 : vector<4096x128xf32>
    %mul3A_22 = arith.mulf %sub3A_20, %tanh3A : vector<4096x128xf32>
    %get3A_23 = arith.constant 0 : index
    %get3A_24 = arith.constant 0 : index
    %get3A_25 = vector.load %arg1[%get3A_23, %get3A_24] : memref<256x128xf32, #tpu.memory_space<vmem>>, vector<256x128xf32>
    %dot_general3A_26 = arith.constant dense<0.000000e+00> : vector<256x384xf32>
    %dot_general3A_27 = tpu.matmul %get3A_25, %get3A_4, %dot_general3A_26 {dimension_numbers = #tpu.dot_dimension_numbers<[1], [0], [0], [1], [0, 0, 1, 1], [], []>, transpose_lhs_hint = false} : vector<256x128xf32>, vector<128x384xf32>, vector<256x384xf32> -> vector<256x384xf32>
    %add3A_28 = vector.broadcast %get3A_1 : vector<1x384xf32> to vector<256x384xf32>
    %add3A_29 = arith.addf %dot_general3A_27, %add3A_28 : vector<256x384xf32>
    %get3A_30 = arith.constant 0 : index
    %get3A_31 = arith.constant 0 : index
    %get3A_32 = vector.load %arg8[%get3A_30, %get3A_31] : memref<128x128xf32, #tpu.memory_space<vmem>>, vector<128x128xf32>
    %dot_general3A_33 = arith.constant dense<0.000000e+00> : vector<4096x128xf32>
    %dot_general3A_34 = tpu.matmul %mul3A_22, %get3A_32, %dot_general3A_33 {dimension_numbers = #tpu.dot_dimension_numbers<[1], [0], [0], [1], [0, 0, 1, 1], [], []>, transpose_lhs_hint = false} : vector<4096x128xf32>, vector<128x128xf32>, vector<4096x128xf32> -> vector<4096x128xf32>
    %reshape3A = vector.shape_cast %mul3A_22 : vector<4096x128xf32> to vector<256x16x128xf32>
    %reshape3A_35 = vector.shape_cast %dot_general3A_34 : vector<4096x128xf32> to vector<256x16x128xf32>
    %reduce_sum3A = arith.constant dense<0.000000e+00> : vector<256x128xf32>
    %reduce_sum3A_36 = vector.multi_reduction <add>, %reshape3A, %reduce_sum3A [1] : vector<256x16x128xf32> to vector<256x128xf32>
    %mul3A_37 = arith.mulf %reshape3A_35, %reshape3A : vector<256x16x128xf32>
    %reduce_sum3A_38 = arith.constant dense<0.000000e+00> : vector<256x128xf32>
    %reduce_sum3A_39 = vector.multi_reduction <add>, %mul3A_37, %reduce_sum3A_38 [1] : vector<256x16x128xf32> to vector<256x128xf32>
    %slice3A_40 = vector.extract_strided_slice %add3A_29 {offsets = [0, 256], sizes = [256, 128], strides = [1, 1]} : vector<256x384xf32> to vector<256x128xf32>
    %broadcast_in_dim3A = vector.shape_cast %slice3A_40 : vector<256x128xf32> to vector<256x1x128xf32>
    %add3A_41 = vector.broadcast %broadcast_in_dim3A : vector<256x1x128xf32> to vector<256x16x128xf32>
    %add3A_42 = arith.addf %reshape3A_35, %add3A_41 : vector<256x16x128xf32>
    %logistic3A_43 = arith.negf %add3A_42 : vector<256x16x128xf32>
    %logistic3A_44 = math.exp %logistic3A_43 : vector<256x16x128xf32>
    %logistic3A_45 = arith.constant 1.000000e+00 : f32
    %logistic3A_46 = vector.broadcast %logistic3A_45 : f32 to vector<256x16x128xf32>
    %logistic3A_47 = arith.addf %logistic3A_46, %logistic3A_44 : vector<256x16x128xf32>
    %logistic3A_48 = arith.divf %logistic3A_46, %logistic3A_47 : vector<256x16x128xf32>
    %reduce_sum3A_49 = arith.constant dense<0.000000e+00> : vector<256x128xf32>
    %reduce_sum3A_50 = vector.multi_reduction <add>, %logistic3A_48, %reduce_sum3A_49 [1] : vector<256x16x128xf32> to vector<256x128xf32>
    %slice3A_51 = vector.extract_strided_slice %add3A_29 {offsets = [0, 0], sizes = [256, 128], strides = [1, 1]} : vector<256x384xf32> to vector<256x128xf32>
    %get3A_52 = arith.constant 0 : index
    %get3A_53 = arith.constant 0 : index
    %get3A_54 = vector.load %arg6[%get3A_52, %get3A_53] : memref<128x128xf32, #tpu.memory_space<vmem>>, vector<128x128xf32>
    %dot_general3A_55 = arith.constant dense<0.000000e+00> : vector<256x128xf32>
    %dot_general3A_56 = tpu.matmul %reduce_sum3A_36, %get3A_54, %dot_general3A_55 {dimension_numbers = #tpu.dot_dimension_numbers<[1], [0], [0], [1], [0, 0, 1, 1], [], []>, transpose_lhs_hint = false} : vector<256x128xf32>, vector<128x128xf32>, vector<256x128xf32> -> vector<256x128xf32>
    %add3A_57 = arith.addf %slice3A_51, %dot_general3A_56 : vector<256x128xf32>
    %logistic3A_58 = arith.negf %add3A_57 : vector<256x128xf32>
    %logistic3A_59 = math.exp %logistic3A_58 : vector<256x128xf32>
    %logistic3A_60 = arith.constant 1.000000e+00 : f32
    %logistic3A_61 = vector.broadcast %logistic3A_60 : f32 to vector<256x128xf32>
    %logistic3A_62 = arith.addf %logistic3A_61, %logistic3A_59 : vector<256x128xf32>
    %logistic3A_63 = arith.divf %logistic3A_61, %logistic3A_62 : vector<256x128xf32>
    %slice3A_64 = vector.extract_strided_slice %add3A_29 {offsets = [0, 128], sizes = [256, 128], strides = [1, 1]} : vector<256x384xf32> to vector<256x128xf32>
    %mul3A_65 = arith.mulf %logistic3A_63, %reduce_sum3A_36 : vector<256x128xf32>
    %get3A_66 = arith.constant 0 : index
    %get3A_67 = arith.constant 0 : index
    %get3A_68 = vector.load %arg7[%get3A_66, %get3A_67] : memref<128x128xf32, #tpu.memory_space<vmem>>, vector<128x128xf32>
    %dot_general3A_69 = arith.constant dense<0.000000e+00> : vector<256x128xf32>
    %dot_general3A_70 = tpu.matmul %mul3A_65, %get3A_68, %dot_general3A_69 {dimension_numbers = #tpu.dot_dimension_numbers<[1], [0], [0], [1], [0, 0, 1, 1], [], []>, transpose_lhs_hint = false} : vector<256x128xf32>, vector<128x128xf32>, vector<256x128xf32> -> vector<256x128xf32>
    %add3A_71 = arith.addf %slice3A_64, %dot_general3A_70 : vector<256x128xf32>
    %tanh3A_72 = math.tanh %add3A_71 : vector<256x128xf32>
    %sub3A_73 = arith.constant 1.000000e+00 : f32
    %sub3A_74 = vector.broadcast %sub3A_73 : f32 to vector<256x128xf32>
    %sub3A_75 = arith.subf %sub3A_74, %reduce_sum3A_50 : vector<256x128xf32>
    %mul3A_76 = arith.mulf %sub3A_75, %tanh3A_72 : vector<256x128xf32>
    %add3A_77 = arith.addf %reduce_sum3A_39, %mul3A_76 : vector<256x128xf32>
    %get3A_78 = arith.constant 0 : index
    %get3A_79 = arith.constant 0 : index
    %get3A_80 = vector.load %arg2[%get3A_78, %get3A_79] : memref<16x128xf32, #tpu.memory_space<vmem>>, vector<16x128xf32>
    %dot_general3A_81 = arith.constant dense<0.000000e+00> : vector<16x384xf32>
    %dot_general3A_82 = tpu.matmul %get3A_80, %get3A_4, %dot_general3A_81 {dimension_numbers = #tpu.dot_dimension_numbers<[1], [0], [0], [1], [0, 0, 1, 1], [], []>, transpose_lhs_hint = false} : vector<16x128xf32>, vector<128x384xf32>, vector<16x384xf32> -> vector<16x384xf32>
    %add3A_83 = vector.broadcast %get3A_1 : vector<1x384xf32> to vector<16x384xf32>
    %add3A_84 = arith.addf %dot_general3A_82, %add3A_83 : vector<16x384xf32>
    %get3A_85 = arith.constant 0 : index
    %get3A_86 = arith.constant 0 : index
    %get3A_87 = vector.load %arg8[%get3A_85, %get3A_86] : memref<128x128xf32, #tpu.memory_space<vmem>>, vector<128x128xf32>
    %dot_general3A_88 = arith.constant dense<0.000000e+00> : vector<256x128xf32>
    %dot_general3A_89 = tpu.matmul %add3A_77, %get3A_87, %dot_general3A_88 {dimension_numbers = #tpu.dot_dimension_numbers<[1], [0], [0], [1], [0, 0, 1, 1], [], []>, transpose_lhs_hint = false} : vector<256x128xf32>, vector<128x128xf32>, vector<256x128xf32> -> vector<256x128xf32>
    %reshape3A_90 = vector.shape_cast %add3A_77 : vector<256x128xf32> to vector<16x16x128xf32>
    %reshape3A_91 = vector.shape_cast %dot_general3A_89 : vector<256x128xf32> to vector<16x16x128xf32>
    %reduce_sum3A_92 = arith.constant dense<0.000000e+00> : vector<16x128xf32>
    %reduce_sum3A_93 = vector.multi_reduction <add>, %reshape3A_90, %reduce_sum3A_92 [1] : vector<16x16x128xf32> to vector<16x128xf32>
    %mul3A_94 = arith.mulf %reshape3A_91, %reshape3A_90 : vector<16x16x128xf32>
    %reduce_sum3A_95 = arith.constant dense<0.000000e+00> : vector<16x128xf32>
    %reduce_sum3A_96 = vector.multi_reduction <add>, %mul3A_94, %reduce_sum3A_95 [1] : vector<16x16x128xf32> to vector<16x128xf32>
    %slice3A_97 = vector.extract_strided_slice %add3A_84 {offsets = [0, 256], sizes = [16, 128], strides = [1, 1]} : vector<16x384xf32> to vector<16x128xf32>
    %broadcast_in_dim3A_98 = vector.shape_cast %slice3A_97 : vector<16x128xf32> to vector<16x1x128xf32>
    %add3A_99 = vector.broadcast %broadcast_in_dim3A_98 : vector<16x1x128xf32> to vector<16x16x128xf32>
    %add3A_100 = arith.addf %reshape3A_91, %add3A_99 : vector<16x16x128xf32>
    %logistic3A_101 = arith.negf %add3A_100 : vector<16x16x128xf32>
    %logistic3A_102 = math.exp %logistic3A_101 : vector<16x16x128xf32>
    %logistic3A_103 = arith.constant 1.000000e+00 : f32
    %logistic3A_104 = vector.broadcast %logistic3A_103 : f32 to vector<16x16x128xf32>
    %logistic3A_105 = arith.addf %logistic3A_104, %logistic3A_102 : vector<16x16x128xf32>
    %logistic3A_106 = arith.divf %logistic3A_104, %logistic3A_105 : vector<16x16x128xf32>
    %reduce_sum3A_107 = arith.constant dense<0.000000e+00> : vector<16x128xf32>
    %reduce_sum3A_108 = vector.multi_reduction <add>, %logistic3A_106, %reduce_sum3A_107 [1] : vector<16x16x128xf32> to vector<16x128xf32>
    %slice3A_109 = vector.extract_strided_slice %add3A_84 {offsets = [0, 0], sizes = [16, 128], strides = [1, 1]} : vector<16x384xf32> to vector<16x128xf32>
    %get3A_110 = arith.constant 0 : index
    %get3A_111 = arith.constant 0 : index
    %get3A_112 = vector.load %arg6[%get3A_110, %get3A_111] : memref<128x128xf32, #tpu.memory_space<vmem>>, vector<128x128xf32>
    %dot_general3A_113 = arith.constant dense<0.000000e+00> : vector<16x128xf32>
    %dot_general3A_114 = tpu.matmul %reduce_sum3A_93, %get3A_112, %dot_general3A_113 {dimension_numbers = #tpu.dot_dimension_numbers<[1], [0], [0], [1], [0, 0, 1, 1], [], []>, transpose_lhs_hint = false} : vector<16x128xf32>, vector<128x128xf32>, vector<16x128xf32> -> vector<16x128xf32>
    %add3A_115 = arith.addf %slice3A_109, %dot_general3A_114 : vector<16x128xf32>
    %logistic3A_116 = arith.negf %add3A_115 : vector<16x128xf32>
    %logistic3A_117 = math.exp %logistic3A_116 : vector<16x128xf32>
    %logistic3A_118 = arith.constant 1.000000e+00 : f32
    %logistic3A_119 = vector.broadcast %logistic3A_118 : f32 to vector<16x128xf32>
    %logistic3A_120 = arith.addf %logistic3A_119, %logistic3A_117 : vector<16x128xf32>
    %logistic3A_121 = arith.divf %logistic3A_119, %logistic3A_120 : vector<16x128xf32>
    %slice3A_122 = vector.extract_strided_slice %add3A_84 {offsets = [0, 128], sizes = [16, 128], strides = [1, 1]} : vector<16x384xf32> to vector<16x128xf32>
    %mul3A_123 = arith.mulf %logistic3A_121, %reduce_sum3A_93 : vector<16x128xf32>
    %get3A_124 = arith.constant 0 : index
    %get3A_125 = arith.constant 0 : index
    %get3A_126 = vector.load %arg7[%get3A_124, %get3A_125] : memref<128x128xf32, #tpu.memory_space<vmem>>, vector<128x128xf32>
    %dot_general3A_127 = arith.constant dense<0.000000e+00> : vector<16x128xf32>
    %dot_general3A_128 = tpu.matmul %mul3A_123, %get3A_126, %dot_general3A_127 {dimension_numbers = #tpu.dot_dimension_numbers<[1], [0], [0], [1], [0, 0, 1, 1], [], []>, transpose_lhs_hint = false} : vector<16x128xf32>, vector<128x128xf32>, vector<16x128xf32> -> vector<16x128xf32>
    %add3A_129 = arith.addf %slice3A_122, %dot_general3A_128 : vector<16x128xf32>
    %tanh3A_130 = math.tanh %add3A_129 : vector<16x128xf32>
    %sub3A_131 = arith.constant 1.000000e+00 : f32
    %sub3A_132 = vector.broadcast %sub3A_131 : f32 to vector<16x128xf32>
    %sub3A_133 = arith.subf %sub3A_132, %reduce_sum3A_108 : vector<16x128xf32>
    %mul3A_134 = arith.mulf %sub3A_133, %tanh3A_130 : vector<16x128xf32>
    %add3A_135 = arith.addf %reduce_sum3A_96, %mul3A_134 : vector<16x128xf32>
    %get3A_136 = arith.constant 0 : index
    %get3A_137 = arith.constant 0 : index
    %get3A_138 = vector.load %arg3[%get3A_136, %get3A_137] : memref<1x128xf32, #tpu.memory_space<vmem>>, vector<1x128xf32>
    %dot_general3A_139 = arith.constant dense<0.000000e+00> : vector<1x384xf32>
    %dot_general3A_140 = tpu.matmul %get3A_138, %get3A_4, %dot_general3A_139 {dimension_numbers = #tpu.dot_dimension_numbers<[1], [0], [0], [1], [0, 0, 1, 1], [], []>, transpose_lhs_hint = false} : vector<1x128xf32>, vector<128x384xf32>, vector<1x384xf32> -> vector<1x384xf32>
    %add3A_141 = arith.addf %dot_general3A_140, %get3A_1 : vector<1x384xf32>
    %get3A_142 = arith.constant 0 : index
    %get3A_143 = arith.constant 0 : index
    %get3A_144 = vector.load %arg8[%get3A_142, %get3A_143] : memref<128x128xf32, #tpu.memory_space<vmem>>, vector<128x128xf32>
    %dot_general3A_145 = arith.constant dense<0.000000e+00> : vector<16x128xf32>
    %dot_general3A_146 = tpu.matmul %add3A_135, %get3A_144, %dot_general3A_145 {dimension_numbers = #tpu.dot_dimension_numbers<[1], [0], [0], [1], [0, 0, 1, 1], [], []>, transpose_lhs_hint = false} : vector<16x128xf32>, vector<128x128xf32>, vector<16x128xf32> -> vector<16x128xf32>
    %reshape3A_147 = vector.shape_cast %add3A_135 : vector<16x128xf32> to vector<1x16x128xf32>
    %reshape3A_148 = vector.shape_cast %dot_general3A_146 : vector<16x128xf32> to vector<1x16x128xf32>
    %reduce_sum3A_149 = arith.constant dense<0.000000e+00> : vector<1x128xf32>
    %reduce_sum3A_150 = vector.multi_reduction <add>, %reshape3A_147, %reduce_sum3A_149 [1] : vector<1x16x128xf32> to vector<1x128xf32>
    %mul3A_151 = arith.mulf %reshape3A_148, %reshape3A_147 : vector<1x16x128xf32>
    %reduce_sum3A_152 = arith.constant dense<0.000000e+00> : vector<1x128xf32>
    %reduce_sum3A_153 = vector.multi_reduction <add>, %mul3A_151, %reduce_sum3A_152 [1] : vector<1x16x128xf32> to vector<1x128xf32>
    %slice3A_154 = vector.extract_strided_slice %add3A_141 {offsets = [0, 256], sizes = [1, 128], strides = [1, 1]} : vector<1x384xf32> to vector<1x128xf32>
    %broadcast_in_dim3A_155 = vector.shape_cast %slice3A_154 : vector<1x128xf32> to vector<1x1x128xf32>
    %add3A_156 = vector.broadcast %broadcast_in_dim3A_155 : vector<1x1x128xf32> to vector<1x16x128xf32>
    %add3A_157 = arith.addf %reshape3A_148, %add3A_156 : vector<1x16x128xf32>
    %logistic3A_158 = arith.negf %add3A_157 : vector<1x16x128xf32>
    %logistic3A_159 = math.exp %logistic3A_158 : vector<1x16x128xf32>
    %logistic3A_160 = arith.constant 1.000000e+00 : f32
    %logistic3A_161 = vector.broadcast %logistic3A_160 : f32 to vector<1x16x128xf32>
    %logistic3A_162 = arith.addf %logistic3A_161, %logistic3A_159 : vector<1x16x128xf32>
    %logistic3A_163 = arith.divf %logistic3A_161, %logistic3A_162 : vector<1x16x128xf32>
    %reduce_sum3A_164 = arith.constant dense<0.000000e+00> : vector<1x128xf32>
    %reduce_sum3A_165 = vector.multi_reduction <add>, %logistic3A_163, %reduce_sum3A_164 [1] : vector<1x16x128xf32> to vector<1x128xf32>
    %slice3A_166 = vector.extract_strided_slice %add3A_141 {offsets = [0, 0], sizes = [1, 128], strides = [1, 1]} : vector<1x384xf32> to vector<1x128xf32>
    %get3A_167 = arith.constant 0 : index
    %get3A_168 = arith.constant 0 : index
    %get3A_169 = vector.load %arg6[%get3A_167, %get3A_168] : memref<128x128xf32, #tpu.memory_space<vmem>>, vector<128x128xf32>
    %dot_general3A_170 = arith.constant dense<0.000000e+00> : vector<1x128xf32>
    %dot_general3A_171 = tpu.matmul %reduce_sum3A_150, %get3A_169, %dot_general3A_170 {dimension_numbers = #tpu.dot_dimension_numbers<[1], [0], [0], [1], [0, 0, 1, 1], [], []>, transpose_lhs_hint = false} : vector<1x128xf32>, vector<128x128xf32>, vector<1x128xf32> -> vector<1x128xf32>
    %add3A_172 = arith.addf %slice3A_166, %dot_general3A_171 : vector<1x128xf32>
    %logistic3A_173 = arith.negf %add3A_172 : vector<1x128xf32>
    %logistic3A_174 = math.exp %logistic3A_173 : vector<1x128xf32>
    %logistic3A_175 = arith.constant 1.000000e+00 : f32
    %logistic3A_176 = vector.broadcast %logistic3A_175 : f32 to vector<1x128xf32>
    %logistic3A_177 = arith.addf %logistic3A_176, %logistic3A_174 : vector<1x128xf32>
    %logistic3A_178 = arith.divf %logistic3A_176, %logistic3A_177 : vector<1x128xf32>
    %slice3A_179 = vector.extract_strided_slice %add3A_141 {offsets = [0, 128], sizes = [1, 128], strides = [1, 1]} : vector<1x384xf32> to vector<1x128xf32>
    %mul3A_180 = arith.mulf %logistic3A_178, %reduce_sum3A_150 : vector<1x128xf32>
    %get3A_181 = arith.constant 0 : index
    %get3A_182 = arith.constant 0 : index
    %get3A_183 = vector.load %arg7[%get3A_181, %get3A_182] : memref<128x128xf32, #tpu.memory_space<vmem>>, vector<128x128xf32>
    %dot_general3A_184 = arith.constant dense<0.000000e+00> : vector<1x128xf32>
    %dot_general3A_185 = tpu.matmul %mul3A_180, %get3A_183, %dot_general3A_184 {dimension_numbers = #tpu.dot_dimension_numbers<[1], [0], [0], [1], [0, 0, 1, 1], [], []>, transpose_lhs_hint = false} : vector<1x128xf32>, vector<128x128xf32>, vector<1x128xf32> -> vector<1x128xf32>
    %add3A_186 = arith.addf %slice3A_179, %dot_general3A_185 : vector<1x128xf32>
    %tanh3A_187 = math.tanh %add3A_186 : vector<1x128xf32>
    %sub3A_188 = arith.constant 1.000000e+00 : f32
    %sub3A_189 = vector.broadcast %sub3A_188 : f32 to vector<1x128xf32>
    %sub3A_190 = arith.subf %sub3A_189, %reduce_sum3A_165 : vector<1x128xf32>
    %mul3A_191 = arith.mulf %sub3A_190, %tanh3A_187 : vector<1x128xf32>
    %add3A_192 = arith.addf %reduce_sum3A_153, %mul3A_191 : vector<1x128xf32>
    %broadcast_in_dim3A_193 = arith.constant 0.000000e+00 : f32
    %broadcast_in_dim3A_194 = vector.broadcast %broadcast_in_dim3A_193 : f32 to vector<7x128xf32>
    %concatenate3A = tpu.concatenate %add3A_192, %add3A_135, %add3A_77, %mul3A_22, %broadcast_in_dim3A_194 in 0 : vector<1x128xf32>, vector<16x128xf32>, vector<256x128xf32>, vector<4096x128xf32>, vector<7x128xf32> -> vector<4376x128xf32>
    %swap3A = arith.constant 0 : index
    %swap3A_195 = arith.constant 0 : index
    %swap3A_196 = vector.load %arg9[%swap3A, %swap3A_195] : memref<4376x128xf32, #tpu.memory_space<vmem>>, vector<4376x128xf32>
    tpu.vector_store %arg9[%swap3A, %swap3A_195], %concatenate3A {strides = array<i32>} : memref<4376x128xf32, #tpu.memory_space<vmem>>, vector<4376x128xf32>,
    return
  }
}

</mosaic_0001>

<sc_bundles>
// kernel: kernel.4.cloned.1.call-start
scs
__scs_entry_jumppad:
0x0: {  	(pc) =	sbr.rel $0x88, $3  }
0x1: {  	(tag) =	ssettag $0x0;
	lr =	simm.s32 $0x1  }
0x2: {  	[smem:$0x3F9B] =	sst lr;
	_ =	strace $0xD0000000  }
0x3: {  	_ = 	snop  }
0x4: {  	_ = 	snop  }
0x5: {  	_ = 	snop  }
0x6: {  	_ = 	snop  }
0x7: {  	_ = 	snop  }
__scs_overlays_trampoline_lowered:
0x8: {  	[smem:$0x3FAA] =	sst s0  }
0x9: {  	[smem:$0x3FAB] =	sst s1  }
0xa: {  	[smem:$0x3FAC] =	sst s2  }
0xb: {  	[smem:$0x3FAD] =	sst s3  }
0xc: {  	[smem:$0x3FAE] =	sst s4  }
0xd: {  	[smem:$0x3FAF] =	sst s5  }
0xe: {  	[smem:$0x3FB0] =	sst s6  }
0xf: {  	[smem:$0x3FB1] =	sst s7  }
0x10: {  	[smem:$0x3FB2] =	sst s8  }
0x11: {  	[smem:$0x3FB3] =	sst s9;
	s0 =	simm.s32 @!p0 $0x0  }
0x12: {  	s1 =	sld [smem:$0x3F99];
	s0 =	simm.s32 @p0 $0x1  }
0x13: {  	[smem:$0x3FB4] =	sst s0;
	s0 =	simm.s32 @!p1 $0x0  }
0x14: {  	s2 =	sld [smem:$0x3F98];
	s0 =	simm.s32 @p1 $0x1  }
0x15: {  	[smem:$0x3FB5] =	sst s0;
	s0 =	simm.s32 @!p2 $0x0  }
0x16: {  	s3 =	sld [smem:$0x3FDB];
	s0 =	simm.s32 @p2 $0x1  }
0x17: {  	s4 =	simm.s32 $0x1BF5;
	[smem:$0x3FB7] =	sst s0  }
0x18: {  	s0 =	sld [smem:$0x3F9A];
	_ =	swait.ge [sflag:s4], $0x0  }
0x19: {  	s7 =	sld [smem:$0x3F9B]  }
0x1a: {  	s8 =	sadd.s32 $0xFFFFE003, lr  }
0x1b: {  	s9 =	sadd.s32 $0xFFFFFEF7, lr;
	s5 =	simm.s32 $0xFFFFFFFF;
	p2 =	slt.u32 s8, $0xFFFFF086  }
0x1c: {  	p1 =	slt.u32 s9, $0xF7A;
	s5 =	simm.s32 @!p2 $0x0  }
0x1d: {  	s5 =	simm.s32 @p1 $0x1;
	p0 =	seq.s32 s7, s2  }
0x1e: {  	s7 =	smul.u32 @!p0 $0xF7A, s2;
	p2 =	seq.s32 @!p0 s5, $0x0  }
0x1f: {  	s9 =	smul.u32 $0xF7A, s1;
	s8 =	simm.s32 @!p0 $0x1BF5;
	p2 =	por !p2, p0  }
0x20: {  	[sflag:s8] =	ssyncset.s32 @!p0 $0xFFFFF086;
	s6 =	sadd.s32 @!p0 s3, s7;
	s7 =	simm.s32 @!p0 $0x108  }
0x21: {  	s3 =	sadd.s32 s3, s9;
	s6 =	sadd.s32 @!p0 $0x88, s6;
	s7 =	simm.s32 @p2 $0x1082  }
0x22: {  	[simem:s7], [sflag:s8] =	dma.local @!p0 [hbm:s6], $0xF7A  }
0x23: {  	s9 =	sor.u32 $0xD0000000, s2;
	s6 =	simm.s32 $0x108;
	_ =	swait.ge @!p0 [sflag:s8], $0x0  }
0x24: {  	s3 =	sadd.s32 $0x88, s3;
	s6 =	simm.s32 @!p1 $0x1082;
	[sflag:s4] =	ssyncset.s32 $0xFFFFF086  }
0x25: {  	[simem:s6], [sflag:s4] =	dma.local [hbm:s3], $0xF7A  }
0x26: {  	[smem:$0x3F9B] =	sst s1;
	(tag) =	ssettag s2;
	_ =	strace s9  }
0x27: {  	s1 =	sld [smem:$0x3FAB]  }
0x28: {  	s2 =	sld [smem:$0x3FAC]  }
0x29: {  	s4 =	sld [smem:$0x3FAE]  }
0x2a: {  	p0 =	seq.s32 s5, $0x0;
	s5 =	sld [smem:$0x3FAF]  }
0x2b: {  	s6 =	sld [smem:$0x3FB0]  }
0x2c: {  	s7 =	sld [smem:$0x3FB1]  }
0x2d: {  	s3 =	simm.s32 $0x108;
	s8 =	sld [smem:$0x3FB2]  }
0x2e: {  	s3 =	simm.s32 @!p0 $0x1082;
	s9 =	sld [smem:$0x3FB3]  }
0x2f: {  	lr =	sadd.s32 s0, s3;
	s0 =	sld [smem:$0x3FAA]  }
0x30: {  	s3 =	sld [smem:$0x3FAD]  }
0x31: {  	[smem:$0x3FB6] =	sst s10  }
0x32: {  	s10 =	sld [smem:$0x3FB4];
	_ =	sdelay $0x3  }
0x33: {  	p0 =	seq.s32 s10, $0x1;
	s10 =	sld [smem:$0x3FB6];
	_ =	sdelay $0x3  }
0x34: {  	[smem:$0x3FB6] =	sst s10  }
0x35: {  	s10 =	sld [smem:$0x3FB5];
	_ =	sdelay $0x3  }
0x36: {  	p1 =	seq.s32 s10, $0x1;
	s10 =	sld [smem:$0x3FB6];
	_ =	sdelay $0x3  }
0x37: {  	[smem:$0x3FB6] =	sst s10  }
0x38: {  	s10 =	sld [smem:$0x3FB7]  }
0x39: {  	_ = 	snop;
	(pc) =	sbr.ind lr, $3  }
0x3a: {  	_ = 	snop  }
0x3b: {  	_ = 	snop  }
0x3c: {  	p2 =	seq.s32 s10, $0x1;
	s10 =	sld [smem:$0x3FB6]  }
0x3d: {  	_ =	shalt  }
0x3e: {  	_ =	shalt  }
0x3f: {  	_ =	shalt  }
0x40: {  	_ =	shalt  }
0x41: {  	_ =	shalt  }
0x42: {  	_ =	shalt  }
0x43: {  	_ =	shalt  }
0x44: {  	_ =	shalt  }
0x45: {  	_ =	shalt  }
0x46: {  	_ =	shalt  }
0x47: {  	_ =	shalt  }
0x48: {  	_ =	shalt  }
0x49: {  	_ =	shalt  }
0x4a: {  	_ =	shalt  }
0x4b: {  	_ =	shalt  }
0x4c: {  	_ =	shalt  }
0x4d: {  	_ =	shalt  }
0x4e: {  	_ =	shalt  }
0x4f: {  	_ =	shalt  }
0x50: {  	_ =	shalt  }
0x51: {  	_ =	shalt  }
0x52: {  	_ =	shalt  }
0x53: {  	_ =	shalt  }
0x54: {  	_ =	shalt  }
0x55: {  	_ =	shalt  }
0x56: {  	_ =	shalt  }
0x57: {  	_ =	shalt  }
0x58: {  	_ =	shalt  }
0x59: {  	_ =	shalt  }
0x5a: {  	_ =	shalt  }
0x5b: {  	_ =	shalt  }
0x5c: {  	_ =	shalt  }
0x5d: {  	_ =	shalt  }
0x5e: {  	_ =	shalt  }
0x5f: {  	_ =	shalt  }
0x60: {  	_ =	shalt  }
0x61: {  	_ =	shalt  }
0x62: {  	_ =	shalt  }
0x63: {  	_ =	shalt  }
0x64: {  	_ =	shalt  }
0x65: {  	_ =	shalt  }
0x66: {  	_ =	shalt  }
0x67: {  	_ =	shalt  }
0x68: {  	_ =	shalt  }
0x69: {  	_ =	shalt  }
0x6a: {  	_ =	shalt  }
0x6b: {  	_ =	shalt  }
0x6c: {  	_ =	shalt  }
0x6d: {  	_ =	shalt  }
0x6e: {  	_ =	shalt  }
0x6f: {  	_ =	shalt  }
0x70: {  	_ =	shalt  }
0x71: {  	_ =	shalt  }
0x72: {  	_ =	shalt  }
0x73: {  	_ =	shalt  }
0x74: {  	_ =	shalt  }
0x75: {  	_ =	shalt  }
0x76: {  	_ =	shalt  }
0x77: {  	_ =	shalt  }
0x78: {  	_ =	shalt  }
0x79: {  	_ =	shalt  }
0x7a: {  	_ =	shalt  }
0x7b: {  	_ =	shalt  }
0x7c: {  	_ =	shalt  }
0x7d: {  	_ =	shalt  }
0x7e: {  	_ =	shalt  }
0x7f: {  	_ =	shalt  }
0x80: {  	_ =	shalt  }
0x81: {  	_ =	shalt  }
0x82: {  	_ =	shalt  }
0x83: {  	_ =	shalt  }
0x84: {  	_ =	shalt  }
0x85: {  	_ =	shalt  }
0x86: {  	_ =	shalt  }
0x87: {  	_ =	shalt  }
.Lfunc_end0:
.L_simem_size_0:
called_computation_lowered:
.L_overlay_start_0:
0x88: {  	s2 =	sld [smem:$0x3FD9]  }
0x89: {  	s3 =	sld [smem:$0x3FFE];
	_ =	sdelay $0x1  }
0x8a: {  	s1 =	srdreg.scid  }
0x8b: {  	s0 =	sand.u32 $0x1, s1  }
0x8c: {  	s18 =	sshll.u32 s0, $0xA;
	s2 =	sadd.s32 s3, s2  }
0x8d: {  	s2 =	sadd.s32 s2, s18  }
0x8e: {  	[smem:$0x3FC2] =	sst s2  }
0x8f: {  	_ = 	snop  }
0x90: {  	s2 =	sld [smem:$0x3FD0];
	(tm) =	ssettm $0x1  }
0x91: {  	s19 =	sld [smem:$0x3FFB];
	_ =	sdelay $0x3  }
0x92: {  	_ =	strace s19  }
0x93: {  	s3 =	sld [smem:$0x3FFC];
	_ =	sdelay $0x3  }
0x94: {  	_ =	strace s3  }
0x95: {  	s3 =	sld [smem:$0x3FFD];
	_ =	sdelay $0x3  }
0x96: {  	_ =	strace s3  }
0x97: {  	_ =	strace $0x8FFFFFFF  }
0x98: {  	s20 =	sld [smem:$0x3FDB];
	_ =	sdelay $0x1  }
0x99: {  	s4 =	simm.s32 $_scs_section_size  }
0x9a: {  	s5 =	simm.s32 $_size__tile_overlayer_lowered;
	s6 =	simm.s32 $_tile_overlayer_lowered  }
0x9b: {  	s23 =	simm.s32 $0x1BFF;
	s22 =	sshll.u32 s6, $0x1;
	s3 =	sadd.s32 s4, s20  }
0x9c: {  	s7 =	simm.s32 $0x0;
	s21 =	sshll.u32 s5, $0x1;
	s5 =	sadd.s32 s22, s3  }
0x9d: {  	[timem:s7], [sflag:s23] =	dma.local [hbm:s5], s21  }
0x9e: {  	_ =	swait.ge [sflag:s23], s21  }
0x9f: {  	s4 =	ssub.s32 $0x0, s21;
	[sflag:s23] =	ssyncset.done $0x0  }
0xa0: {  	[sflag:s23] =	ssyncadd.s32 s4;
	_ =	sdelay $0x1  }
0xa1: {  	s24 =	simm.s32 $0x1B8B  }
0xa2: {  	_ =	swait.ge [sflag:s24], $0x1  }
0xa3: {  	[sflag:s24] =	ssyncset.done $0x0  }
0xa4: {  	s25 =	simm.s32 $0x1B8E;
	[sflag:s24] =	ssyncadd.s32 $0xFFFFFFFF  }
0xa5: {  	s26 =	simm.s32 $execute0_lowered;
	[smem:$0x3FD2] =	sst s25  }
0xa6: {  	s4 =	sshll.u32 s26, $0x1;
	_ =	strace $0x80000046;
	[dreg:$0x1] =	wrdreg $0xFFFFFFFF  }
0xa7: {  	s28 =	simm.s32 $_size_execute0_lowered;
	s3 =	sadd.s32 s3, s4;
	[dreg:$0x0] =	wrdreg $0x0  }
0xa8: {  	s4 =	sshll.u32 s28, $0x1;
	[dreg:$0x2] =	wrdreg s3  }
0xa9: {  	[dreg:$0x3] =	wrdreg s4  }
0xaa: {  	[dreg:$0x4] =	wrdreg $0xC0  }
0xab: {  	_ =	task [dreg:s7], $0x5FFFF  }
0xac: {  	[dreg:$0x1] =	wrdreg $0xFFFFFFFF  }
0xad: {  	[dreg:$0x0] =	wrdreg $0x60  }
0xae: {  	[dreg:$0x2] =	wrdreg s2  }
0xaf: {  	[dreg:$0x3] =	wrdreg $0x9  }
0xb0: {  	_ =	task.clear_ibuf [dreg:s7], $0x4FFFF;
	_ =	strace $0x90000046  }
0xb1: {  	s29 =	simm.s32 $0x9;
	_ =	strace $0x80000048  }
0xb2: {  	_ =	swait.ge [sflag:s29], $0x1  }
0xb3: {  	[sflag:s29] =	ssyncadd.s32 $0xFFFFFFFF  }
0xb4: {  	_ =	strace $0x90000048  }
0xb5: {  	_ =	sfence  }
0xb6: {  	s30 =	sld [smem:$0x0];
	_ =	sdelay $0x2  }
0xb7: {  	s31 =	sshll.u32 s1, $0xD;
	s1 =	sshrl.u32 s1, $0x2  }
0xb8: {  	s3 =	sand.u32 $0x4000, s31;
	s1 =	sadd.s32 s1, s30  }
0xb9: {  	s0 =	sor.u32 s3, s0;
	s1 =	sshll.u32 s1, $0x11  }
0xba: {  	s0 =	sor.u32 s1, s0  }
0xbb: {  	s0 =	sadd.s32 $0x8F2B, s0  }
0xbc: {  	[sflag:s0] =	ssyncadd.remote.s32 $0x1  }
0xbd: {  	_ =	sfence.sel $0xFFFF  }
0xbe: {  	[dreg:$0x0] =	wrdreg $0xFFFFFFFF;
	(pc) =	sbr.abs _section_cstart, $3  }
0xbf: {  	[dreg:$0x1] =	wrdreg $0xFFFFFFFF  }
0xc0: {  	_ =	task.clear_ibuf [dreg:s7], $0x2FFFF;
	_ =	strace $0x9FFFFFFF  }
0xc1: {  	(tm) =	ssettm $0x7FFFFFFF  }
tec
execute0_lowered:
.L_overlay_start_1:
0x0: {  	(tag) =	ssettag $0x1  }
0x1: {  	s1 =	srdreg.scid  }
0x2: {  	s0 =	stileid.u32;
	s4 =	rddreg [dreg:$0x0]  }
0x3: {  	s2 =	simm.s32 $0x0;
	s12 =	simm.s32 $0x1;
	s3 =	sand.u32 $0x1, s1  }
0x4: {  	s13 =	simm.s32 $0x0;
	s5 =	sshll.u32 s0, $0x13;
	s6 =	sshll.u32 s3, $0x12  }
0x5: {  	s1 =	rddreg [dreg:$0x1];
	s3 =	ssub.s32 $0x2, s3;
	s5 =	sor.u32 s6, s5  }
0x6: {  	[smem:$0x7FF] =	sst s2;
	s31 =	sshrl.u32 s3, $0x1;
	s5 =	sshrl.u32 s5, $0x3  }
0x7: {  	_ =	strace $0x80000047;
	s11 =	ssub.s32 s3, s31;
	s10 =	sadd.s32 s4, s5  }
0x8: {  	s11 =	smax.u32 s11, $0x1;
	s3 =	sadd.s32 $0x11100, s10;
	s4 =	sadd.s32 $0x12100, s10  }
0x9: {  	s5 =	sadd.s32 $0x13100, s10;
	s6 =	sadd.s32 $0x14100, s10;
	s7 =	sadd.s32 $0x15100, s10  }
0xa: {  	v0 =	vimm.f32 $0.0e+00;
	s8 =	sadd.s32 $0x16100, s10;
	s9 =	sadd.s32 $0x17100, s10;
	s10 =	sadd.s32 $0x18100, s10  }
.LBB2_1:
0xb: {  	s14 =	simm.s32 $0x0;
	s15 =	simm.s32 $0x200  }
.LBB2_2:
0xc: {  	p0 =	sne.s32 s15, $0x1FE00;
	[tilespmem:s14+$0x70] =	vst v0  }
0xd: {  	[tilespmem:s14+$0x0] =	vst v0  }
0xe: {  	[tilespmem:s14+$0x10] =	vst v0  }
.Ltmp0:
0xf: {  	[tilespmem:s14+$0x20] =	vst v0;
	(pc) =	sbr.rel @p0 .LBB2_2-.Ltmp0, $4  }
0x10: {  	[tilespmem:s14+$0x30] =	vst v0  }
0x11: {  	[tilespmem:s14+$0x40] =	vst v0  }
0x12: {  	[tilespmem:s14+$0x50] =	vst v0  }
0x13: {  	[tilespmem:s14+$0x60] =	vst v0;
	s14 =	sshra.s32 s15, $0x2;
	s15 =	sadd.s32 $0x200, s15  }
0x14: {  	[tilespmem:s14+$0x70] =	vst v0  }
0x15: {  	[tilespmem:s14+$0x0] =	vst v0  }
0x16: {  	[tilespmem:s14+$0x10] =	vst v0  }
0x17: {  	[tilespmem:s14+$0x20] =	vst v0  }
0x18: {  	[tilespmem:s14+$0x30] =	vst v0  }
0x19: {  	[tilespmem:s14+$0x40] =	vst v0  }
0x1a: {  	[tilespmem:s14+$0x50] =	vst v0  }
0x1b: {  	[tilespmem:s14+$0x60] =	vst v0  }
0x1c: {  	[hbm4b:s3+s2] =	stream.linear.scatter [tilespmem:s2], [sflag:$0x1], $0x8000, $0x38;
	[tilespmem:$0x8000] =	vst v63  }
0x1d: {  	_ = 	snop  }
0x1e: {  	[hbm4b:s4+s2] =	stream.linear.scatter [tilespmem:s2], [sflag:$0x1], $0x8000, $0x38;
	[tilespmem:$0x8000] =	vst v63  }
0x1f: {  	_ = 	snop  }
0x20: {  	[hbm4b:s5+s2] =	stream.linear.scatter [tilespmem:s2], [sflag:$0x1], $0x8000, $0x38;
	[tilespmem:$0x8000] =	vst v63  }
0x21: {  	_ = 	snop  }
0x22: {  	[hbm4b:s6+s2] =	stream.linear.scatter [tilespmem:s2], [sflag:$0x1], $0x8000, $0x38;
	[tilespmem:$0x8000] =	vst v63  }
0x23: {  	_ = 	snop  }
0x24: {  	[hbm4b:s7+s2] =	stream.linear.scatter [tilespmem:s2], [sflag:$0x1], $0x8000, $0x38;
	[tilespmem:$0x8000] =	vst v63  }
0x25: {  	_ = 	snop  }
0x26: {  	[hbm4b:s8+s2] =	stream.linear.scatter [tilespmem:s2], [sflag:$0x1], $0x8000, $0x38;
	[tilespmem:$0x8000] =	vst v63  }
0x27: {  	_ = 	snop  }
0x28: {  	[hbm4b:s9+s2] =	stream.linear.scatter [tilespmem:s2], [sflag:$0x1], $0x8000, $0x38;
	[tilespmem:$0x8000] =	vst v63  }
0x29: {  	_ = 	snop  }
0x2a: {  	[hbm4b:s10+s2] =	stream.linear.scatter [tilespmem:s2], [sflag:$0x1], $0x8000, $0x38;
	[tilespmem:$0x8000] =	vst v63  }
0x2b: {  	_ =	swait.ge [sflag:s12], $0x8000  }
0x2c: {  	[sflag:s12] =	ssyncset.done $0x0  }
0x2d: {  	[sflag:s12] =	ssyncadd.s32 $0xFFFF8000  }
0x2e: {  	_ =	swait.ge [sflag:s12], $0x8000  }
0x2f: {  	[sflag:s12] =	ssyncset.done $0x0  }
0x30: {  	[sflag:s12] =	ssyncadd.s32 $0xFFFF8000  }
0x31: {  	_ =	swait.ge [sflag:s12], $0x8000  }
0x32: {  	[sflag:s12] =	ssyncset.done $0x0  }
0x33: {  	[sflag:s12] =	ssyncadd.s32 $0xFFFF8000  }
0x34: {  	_ =	swait.ge [sflag:s12], $0x8000  }
0x35: {  	[sflag:s12] =	ssyncset.done $0x0  }
0x36: {  	[sflag:s12] =	ssyncadd.s32 $0xFFFF8000  }
0x37: {  	_ =	swait.ge [sflag:s12], $0x8000  }
0x38: {  	[sflag:s12] =	ssyncset.done $0x0  }
0x39: {  	[sflag:s12] =	ssyncadd.s32 $0xFFFF8000  }
0x3a: {  	_ =	swait.ge [sflag:s12], $0x8000  }
0x3b: {  	[sflag:s12] =	ssyncset.done $0x0  }
0x3c: {  	s13 =	sadd.s32 $0x1, s13;
	[sflag:s12] =	ssyncadd.s32 $0xFFFF8000  }
0x3d: {  	p0 =	sne.s32 s13, s11;
	_ =	swait.ge [sflag:s12], $0x8000  }
.Ltmp1:
0x3e: {  	[sflag:s12] =	ssyncset.done $0x0;
	(pc) =	sbr.rel @p0 .LBB2_1-.Ltmp1, $4  }
0x3f: {  	[sflag:s12] =	ssyncadd.s32 $0xFFFF8000  }
0x40: {  	_ =	swait.ge [sflag:s12], $0x8000  }
0x41: {  	[sflag:s12] =	ssyncset.done $0x0  }
0x42: {  	[sflag:s12] =	ssyncadd.s32 $0xFFFF8000  }
0x43: {  	_ =	sfence.sel $0x180000  }
0x44: {  	[bflag:$0x0] =	sbarrier.arrive $0xFFFF  }
0x45: {  	p0 =	sne.s32 s0, $0x0;
	_ =	strace $0x90000047  }
0x46: {  	s0 =	sadd.s32 @!p0 $0x100000, s1;
	[bflag:$0x2] =	sbarrier.arrive $0xFFFF  }
0x47: {  	[sflag:s0] =	ssyncadd.tile.s32 @!p0 $0x1;
	_ =	shalt  }
.Lfunc_end2:
_tile_overlayer_lowered:
.L_overlay_start_2:
0x48: {  	(tag) =	ssettag $0x2  }
0x49: {  	s0 =	rddreg [dreg:$0x0];
	s2 =	stileid.u32  }
0x4a: {  	s1 =	rddreg [dreg:$0x1];
	p0 =	sne.s32 s2, $0x0  }
0x4b: {  	s3 =	rddreg [dreg:$0x2];
	[bflag:$0x3] =	sbarrier.arrive $0xFFFF;
	s2 =	simm.s32 @!p0 $0x1C02  }
0x4c: {  	[timem:s3], [sflag:s2] =	dma.local @!p0 [hbm:s0], s1  }
0x4d: {  	s0 =	simm.s32 @!p0 $0x2  }
0x4e: {  	_ =	swait.ge @!p0 [sflag:s0], s1  }
0x4f: {  	s1 =	ssub.s32 @!p0 $0x0, s1;
	[sflag:s0] =	ssyncset.done @!p0 $0x0  }
0x50: {  	[sflag:s0] =	ssyncadd.s32 @!p0 s1  }
0x51: {  	[bflag:$0x3] =	sbarrier.arrive $0xFFFF  }
0x52: {  	_ =	shalt  }

</sc_bundles>
